<compile_context>
chip_gen: v7x
topology: tpu7x:2x2x1
jax: 0.10.2.dev20260603
libtpu: 0.0.44.dev20260713+nightly
codegen_flags: <defaults>
</compile_context>

<pallas_src>
import jax
import jax.numpy as jnp
from jax import lax
from jax.experimental import pallas as pl
from jax.experimental.pallas import tpu as pltpu
from jax.experimental.pallas import tpu_sc as plsc

BATCH = 4096
MAXLEN = 200
EMBED_DIM = 64

NW = 32
CHUNKS = MAXLEN * (EMBED_DIM // 8)
PER_W = CHUNKS // NW
PER_W_PAD = 56
HALF = 16


def _sc_body(x_hbm, pos_hbm, out_hbm, *refs):
    ibuf = refs[0:4]
    obuf = refs[4:6]
    pbuf = refs[6]
    sin = refs[7:11]
    sout = refs[11:13]
    wid = lax.axis_index("s") * 2 + lax.axis_index("c")
    base = wid * PER_W
    pltpu.sync_copy(pos_hbm.at[wid], pbuf)
    for sub in range(2):
        for h in range(2):
            pltpu.async_copy(
                x_hbm.at[base + sub, pl.ds(h * HALF, HALF)],
                ibuf[sub * 2 + h],
                sin[sub * 2 + h],
            )

    def pair(j, carry):
        for sub in range(2):
            cc = 2 * j + sub
            c = base + cc
            for h in range(2):
                hs = pl.ds(h * HALF, HALF)
                slot = sub * 2 + h
                pltpu.make_async_copy(x_hbm.at[c, hs], ibuf[slot], sin[slot]).wait()

                @pl.when(cc > 0)
                def _():
                    pltpu.make_async_copy(
                        obuf[h], out_hbm.at[c - 1, hs], sout[h]
                    ).wait()

                pltpu.async_copy(obuf[h], out_hbm.at[c, hs], sout[h])

                @pl.when(cc + 2 < PER_W)
                def _():
                    pltpu.async_copy(x_hbm.at[c + 2, hs], ibuf[slot], sin[slot])

        return carry

    lax.fori_loop(0, PER_W // 2, pair, 0)
    for h in range(2):
        hs = pl.ds(h * HALF, HALF)
        pltpu.make_async_copy(
            obuf[h], out_hbm.at[base + PER_W - 1, hs], sout[h]
        ).wait()


def _sc_add(x5, pos_splat):
    mesh = plsc.VectorSubcoreMesh(core_axis_name="c", subcore_axis_name="s")
    scratch = (
        [pltpu.VMEM((HALF, 8, 128), jnp.float32) for _ in range(6)]
        + [pltpu.VMEM((PER_W_PAD, 128), jnp.float32)]
        + [pltpu.SemaphoreType.DMA for _ in range(6)]
    )
    return pl.kernel(
        _sc_body,
        out_type=jax.ShapeDtypeStruct((CHUNKS, 32, 8, 128), jnp.float32),
        mesh=mesh,
        scratch_types=scratch,
    )(x5, pos_splat)


def kernel(x, pos_table):
    xt = x.transpose(1, 2, 0)
    x5 = xt.reshape(MAXLEN, 8, 8, 32, 128).transpose(0, 1, 3, 2, 4)
    x5 = x5.reshape(CHUNKS, 32, 8, 128)
    pos_splat = jnp.broadcast_to(
        pos_table.reshape(CHUNKS, 8)[:, :, None], (CHUNKS, 8, 16)
    ).reshape(NW, PER_W, 128)
    pos_splat = jnp.pad(pos_splat, ((0, 0), (0, PER_W_PAD - PER_W), (0, 0)))
    out5 = _sc_add(x5, pos_splat)
    out_t = (
        out5.reshape(MAXLEN, 8, 32, 8, 128)
        .transpose(0, 1, 3, 2, 4)
        .reshape(MAXLEN, EMBED_DIM, BATCH)
    )
    return out_t.transpose(2, 0, 1)

# --- scband reference (transcript-rebuilt; emitter-appended) ---
"""Pipeline reference for scband-token-and-position-embedding-14774687498756 (READ-ONLY COPY).

The authoritative reference and input builder live on the scoring server;
editing this copy changes nothing except your own understanding.
"""

import jax, jax.numpy as jnp
import numpy as np

MAXLEN = 200
EMBED_DIM = 64
BATCH = 4096

def setup_inputs(seed: int = 0) -> dict:
    key = jax.random.key(seed)
    k1, k2 = jax.random.split(key)
    x = jax.random.normal(k1, (BATCH, MAXLEN, EMBED_DIM), dtype=jnp.float32)
    # learned positional embedding table: [maxlen, embed_dim]
    pos_table = jax.random.normal(k2, (MAXLEN, EMBED_DIM), dtype=jnp.float32) * 0.02
    return {"x": x, "pos_table": pos_table}

def reference(x, pos_table):
    # positions = tf.range(0, maxlen); pos_emb lookup; broadcast-add to x
    positions = jnp.arange(0, MAXLEN, 1)
    pos = jnp.take(pos_table, positions, axis=0)  # [maxlen, embed_dim]
    return x + pos  # broadcast over batch

if __name__ == "__main__":
    import jax
    _d = setup_inputs()
    print(jax.jit(kernel)(*tuple(_d.values())))

</pallas_src>

<mosaic_0001>
#map = affine_map<(d0, d1) -> (0, 0, 0, 0)>
#map1 = affine_map<(d0, d1) -> (0, 0, 0)>
module attributes {stable_mosaic.version = 14 : i64} {
  func.func @_sc_body(%arg0: i32, %arg1: i32, %arg2: memref<1600x32x8x128xf32, #tpu.memory_space<hbm>>, %arg3: memref<32x56x128xf32, #tpu.memory_space<hbm>>, %arg4: memref<1600x32x8x128xf32, #tpu.memory_space<hbm>>, %arg5: memref<16x8x128xf32, #tpu.memory_space<vmem>>, %arg6: memref<16x8x128xf32, #tpu.memory_space<vmem>>, %arg7: memref<16x8x128xf32, #tpu.memory_space<vmem>>, %arg8: memref<16x8x128xf32, #tpu.memory_space<vmem>>, %arg9: memref<16x8x128xf32, #tpu.memory_space<vmem>>, %arg10: memref<16x8x128xf32, #tpu.memory_space<vmem>>, %arg11: memref<56x128xf32, #tpu.memory_space<vmem>>, %arg12: memref<!tpu.dma_semaphore, #tpu.memory_space<semaphore_mem>>, %arg13: memref<!tpu.dma_semaphore, #tpu.memory_space<semaphore_mem>>, %arg14: memref<!tpu.dma_semaphore, #tpu.memory_space<semaphore_mem>>, %arg15: memref<!tpu.dma_semaphore, #tpu.memory_space<semaphore_mem>>, %arg16: memref<!tpu.dma_semaphore, #tpu.memory_space<semaphore_mem>>, %arg17: memref<!tpu.dma_semaphore, #tpu.memory_space<semaphore_mem>>) attributes {dimension_semantics = [#tpu.dimension_semantics<core_parallel>, #tpu.dimension_semantics<subcore_parallel>], iteration_bounds = array<i64: 2, 16>, scalar_prefetch = 0 : i64, scratch_operands = 13 : i64, tpu.core_type = #tpu.core_type<sc_vector_subcore>, window_params = [{transform_indices = #map}, {transform_indices = #map1}, {transform_indices = #map}]} {
    %mul3A = arith.constant 2 : i32
    %mul3A_0 = arith.muli %arg1, %mul3A : i32
    %add3A = arith.addi %mul3A_0, %arg0 : i32
    %mul3A_1 = arith.constant 50 : i32
    %mul3A_2 = arith.muli %add3A, %mul3A_1 : i32
    "tpu.region"() ({
      %run_scoped3A = tpu.sem_alloc : memref<!tpu.dma_semaphore, #tpu.memory_space<semaphore_mem>>
      %dma_start3A_81 = arith.constant 0 : i32
      %dma_start3A_82 = arith.constant 0 : i32
      %dma_start3A_83 = tpu.memref_slice %arg3[%add3A, %dma_start3A_81, %dma_start3A_82] : memref<32x56x128xf32, #tpu.memory_space<hbm>> -> memref<1x56x128xf32, #tpu.memory_space<hbm>>
      %dma_start3A_84 = tpu.memref_squeeze %dma_start3A_83 : memref<1x56x128xf32, #tpu.memory_space<hbm>> -> memref<56x128xf32, #tpu.memory_space<hbm>>
      %dma_start3A_85 = arith.constant 0 : i32
      %dma_start3A_86 = arith.constant 0 : i32
      %dma_start3A_87 = tpu.memref_slice %arg3[%add3A, %dma_start3A_85, %dma_start3A_86] : memref<32x56x128xf32, #tpu.memory_space<hbm>> -> memref<1x56x128xf32, #tpu.memory_space<hbm>>
      %dma_start3A_88 = tpu.memref_squeeze %dma_start3A_87 : memref<1x56x128xf32, #tpu.memory_space<hbm>> -> memref<56x128xf32, #tpu.memory_space<hbm>>
      tpu.enqueue_dma source(%dma_start3A_88 : memref<56x128xf32, #tpu.memory_space<hbm>>) target(%arg11 : memref<56x128xf32, #tpu.memory_space<vmem>>) target_semaphore(%run_scoped3A : memref<!tpu.dma_semaphore, #tpu.memory_space<semaphore_mem>>)
      %dma_wait3A_89 = arith.constant 0 : i32
      %dma_wait3A_90 = arith.constant 0 : i32
      %dma_wait3A_91 = tpu.memref_slice %arg3[%add3A, %dma_wait3A_89, %dma_wait3A_90] : memref<32x56x128xf32, #tpu.memory_space<hbm>> -> memref<1x56x128xf32, #tpu.memory_space<hbm>>
      %dma_wait3A_92 = tpu.memref_squeeze %dma_wait3A_91 : memref<1x56x128xf32, #tpu.memory_space<hbm>> -> memref<56x128xf32, #tpu.memory_space<hbm>>
      %dma_wait3A_93 = arith.constant 0 : i32
      %dma_wait3A_94 = arith.constant 0 : i32
      %dma_wait3A_95 = tpu.memref_slice %arg3[%add3A, %dma_wait3A_93, %dma_wait3A_94] : memref<32x56x128xf32, #tpu.memory_space<hbm>> -> memref<1x56x128xf32, #tpu.memory_space<hbm>>
      %dma_wait3A_96 = tpu.memref_squeeze %dma_wait3A_95 : memref<1x56x128xf32, #tpu.memory_space<hbm>> -> memref<56x128xf32, #tpu.memory_space<hbm>>
      tpu.wait_dma2 semaphore(%run_scoped3A : memref<!tpu.dma_semaphore, #tpu.memory_space<semaphore_mem>>) src(%dma_wait3A_96 : memref<56x128xf32, #tpu.memory_space<hbm>>) dst(%arg11 : memref<56x128xf32, #tpu.memory_space<vmem>>)
      tpu.yield
    }) : () -> ()
    %add3A_3 = arith.constant 0 : i32
    %add3A_4 = arith.addi %mul3A_2, %add3A_3 : i32
    %dma_start3A = arith.constant 0 : i32
    %dma_start3A_5 = arith.constant 0 : i32
    %dma_start3A_6 = arith.constant 0 : i32
    %dma_start3A_7 = tpu.memref_slice %arg2[%add3A_4, %dma_start3A, %dma_start3A_5, %dma_start3A_6] : memref<1600x32x8x128xf32, #tpu.memory_space<hbm>> -> memref<1x16x8x128xf32, #tpu.memory_space<hbm>>
    %dma_start3A_8 = tpu.memref_squeeze %dma_start3A_7 : memref<1x16x8x128xf32, #tpu.memory_space<hbm>> -> memref<16x8x128xf32, #tpu.memory_space<hbm>>
    %dma_start3A_9 = arith.constant 0 : i32
    %dma_start3A_10 = arith.constant 0 : i32
    %dma_start3A_11 = arith.constant 0 : i32
    %dma_start3A_12 = tpu.memref_slice %arg2[%add3A_4, %dma_start3A_9, %dma_start3A_10, %dma_start3A_11] : memref<1600x32x8x128xf32, #tpu.memory_space<hbm>> -> memref<1x16x8x128xf32, #tpu.memory_space<hbm>>
    %dma_start3A_13 = tpu.memref_squeeze %dma_start3A_12 : memref<1x16x8x128xf32, #tpu.memory_space<hbm>> -> memref<16x8x128xf32, #tpu.memory_space<hbm>>
    tpu.enqueue_dma source(%dma_start3A_13 : memref<16x8x128xf32, #tpu.memory_space<hbm>>) target(%arg5 : memref<16x8x128xf32, #tpu.memory_space<vmem>>) target_semaphore(%arg12 : memref<!tpu.dma_semaphore, #tpu.memory_space<semaphore_mem>>)
    %add3A_14 = arith.constant 0 : i32
    %add3A_15 = arith.addi %mul3A_2, %add3A_14 : i32
    %dma_start3A_16 = arith.constant 16 : i32
    %dma_start3A_17 = arith.constant 0 : i32
    %dma_start3A_18 = arith.constant 0 : i32
    %dma_start3A_19 = tpu.memref_slice %arg2[%add3A_15, %dma_start3A_16, %dma_start3A_17, %dma_start3A_18] : memref<1600x32x8x128xf32, #tpu.memory_space<hbm>> -> memref<1x16x8x128xf32, #tpu.memory_space<hbm>>
    %dma_start3A_20 = tpu.memref_squeeze %dma_start3A_19 : memref<1x16x8x128xf32, #tpu.memory_space<hbm>> -> memref<16x8x128xf32, #tpu.memory_space<hbm>>
    %dma_start3A_21 = arith.constant 16 : i32
    %dma_start3A_22 = arith.constant 0 : i32
    %dma_start3A_23 = arith.constant 0 : i32
    %dma_start3A_24 = tpu.memref_slice %arg2[%add3A_15, %dma_start3A_21, %dma_start3A_22, %dma_start3A_23] : memref<1600x32x8x128xf32, #tpu.memory_space<hbm>> -> memref<1x16x8x128xf32, #tpu.memory_space<hbm>>
    %dma_start3A_25 = tpu.memref_squeeze %dma_start3A_24 : memref<1x16x8x128xf32, #tpu.memory_space<hbm>> -> memref<16x8x128xf32, #tpu.memory_space<hbm>>
    tpu.enqueue_dma source(%dma_start3A_25 : memref<16x8x128xf32, #tpu.memory_space<hbm>>) target(%arg6 : memref<16x8x128xf32, #tpu.memory_space<vmem>>) target_semaphore(%arg13 : memref<!tpu.dma_semaphore, #tpu.memory_space<semaphore_mem>>)
    %add3A_26 = arith.constant 1 : i32
    %add3A_27 = arith.addi %mul3A_2, %add3A_26 : i32
    %dma_start3A_28 = arith.constant 0 : i32
    %dma_start3A_29 = arith.constant 0 : i32
    %dma_start3A_30 = arith.constant 0 : i32
    %dma_start3A_31 = tpu.memref_slice %arg2[%add3A_27, %dma_start3A_28, %dma_start3A_29, %dma_start3A_30] : memref<1600x32x8x128xf32, #tpu.memory_space<hbm>> -> memref<1x16x8x128xf32, #tpu.memory_space<hbm>>
    %dma_start3A_32 = tpu.memref_squeeze %dma_start3A_31 : memref<1x16x8x128xf32, #tpu.memory_space<hbm>> -> memref<16x8x128xf32, #tpu.memory_space<hbm>>
    %dma_start3A_33 = arith.constant 0 : i32
    %dma_start3A_34 = arith.constant 0 : i32
    %dma_start3A_35 = arith.constant 0 : i32
    %dma_start3A_36 = tpu.memref_slice %arg2[%add3A_27, %dma_start3A_33, %dma_start3A_34, %dma_start3A_35] : memref<1600x32x8x128xf32, #tpu.memory_space<hbm>> -> memref<1x16x8x128xf32, #tpu.memory_space<hbm>>
    %dma_start3A_37 = tpu.memref_squeeze %dma_start3A_36 : memref<1x16x8x128xf32, #tpu.memory_space<hbm>> -> memref<16x8x128xf32, #tpu.memory_space<hbm>>
    tpu.enqueue_dma source(%dma_start3A_37 : memref<16x8x128xf32, #tpu.memory_space<hbm>>) target(%arg7 : memref<16x8x128xf32, #tpu.memory_space<vmem>>) target_semaphore(%arg14 : memref<!tpu.dma_semaphore, #tpu.memory_space<semaphore_mem>>)
    %add3A_38 = arith.constant 1 : i32
    %add3A_39 = arith.addi %mul3A_2, %add3A_38 : i32
    %dma_start3A_40 = arith.constant 16 : i32
    %dma_start3A_41 = arith.constant 0 : i32
    %dma_start3A_42 = arith.constant 0 : i32
    %dma_start3A_43 = tpu.memref_slice %arg2[%add3A_39, %dma_start3A_40, %dma_start3A_41, %dma_start3A_42] : memref<1600x32x8x128xf32, #tpu.memory_space<hbm>> -> memref<1x16x8x128xf32, #tpu.memory_space<hbm>>
    %dma_start3A_44 = tpu.memref_squeeze %dma_start3A_43 : memref<1x16x8x128xf32, #tpu.memory_space<hbm>> -> memref<16x8x128xf32, #tpu.memory_space<hbm>>
    %dma_start3A_45 = arith.constant 16 : i32
    %dma_start3A_46 = arith.constant 0 : i32
    %dma_start3A_47 = arith.constant 0 : i32
    %dma_start3A_48 = tpu.memref_slice %arg2[%add3A_39, %dma_start3A_45, %dma_start3A_46, %dma_start3A_47] : memref<1600x32x8x128xf32, #tpu.memory_space<hbm>> -> memref<1x16x8x128xf32, #tpu.memory_space<hbm>>
    %dma_start3A_49 = tpu.memref_squeeze %dma_start3A_48 : memref<1x16x8x128xf32, #tpu.memory_space<hbm>> -> memref<16x8x128xf32, #tpu.memory_space<hbm>>
    tpu.enqueue_dma source(%dma_start3A_49 : memref<16x8x128xf32, #tpu.memory_space<hbm>>) target(%arg8 : memref<16x8x128xf32, #tpu.memory_space<vmem>>) target_semaphore(%arg15 : memref<!tpu.dma_semaphore, #tpu.memory_space<semaphore_mem>>)
    %scan3A = arith.constant 0 : i32
    %scan3A_50 = arith.constant 0 : i32
    %scan3A_51 = arith.constant 25 : i32
    %scan3A_52 = arith.addi %scan3A_50, %scan3A_51 : i32
    %scan3A_53 = arith.constant 1 : i32
    scf.for %scan3A_81 = %scan3A_50 to %scan3A_52 step %scan3A_53  : i32 {
      %mul3A_82 = arith.constant 2 : i32
      %mul3A_83 = arith.muli %mul3A_82, %scan3A_81 : i32
      %add3A_84 = arith.constant 0 : i32
      %add3A_85 = arith.addi %mul3A_83, %add3A_84 : i32
      %add3A_86 = arith.addi %mul3A_2, %add3A_85 : i32
      %dma_wait3A_87 = arith.constant 0 : i32
      %dma_wait3A_88 = arith.constant 0 : i32
      %dma_wait3A_89 = arith.constant 0 : i32
      %dma_wait3A_90 = tpu.memref_slice %arg2[%add3A_86, %dma_wait3A_87, %dma_wait3A_88, %dma_wait3A_89] : memref<1600x32x8x128xf32, #tpu.memory_space<hbm>> -> memref<1x16x8x128xf32, #tpu.memory_space<hbm>>
      %dma_wait3A_91 = tpu.memref_squeeze %dma_wait3A_90 : memref<1x16x8x128xf32, #tpu.memory_space<hbm>> -> memref<16x8x128xf32, #tpu.memory_space<hbm>>
      %dma_wait3A_92 = arith.constant 0 : i32
      %dma_wait3A_93 = arith.constant 0 : i32
      %dma_wait3A_94 = arith.constant 0 : i32
      %dma_wait3A_95 = tpu.memref_slice %arg2[%add3A_86, %dma_wait3A_92, %dma_wait3A_93, %dma_wait3A_94] : memref<1600x32x8x128xf32, #tpu.memory_space<hbm>> -> memref<1x16x8x128xf32, #tpu.memory_space<hbm>>
      %dma_wait3A_96 = tpu.memref_squeeze %dma_wait3A_95 : memref<1x16x8x128xf32, #tpu.memory_space<hbm>> -> memref<16x8x128xf32, #tpu.memory_space<hbm>>
      tpu.wait_dma2 semaphore(%arg12 : memref<!tpu.dma_semaphore, #tpu.memory_space<semaphore_mem>>) src(%dma_wait3A_96 : memref<16x8x128xf32, #tpu.memory_space<hbm>>) dst(%arg5 : memref<16x8x128xf32, #tpu.memory_space<vmem>>)
      %gt3A = arith.constant 0 : i32
      %gt3A_97 = arith.cmpi sgt, %add3A_85, %gt3A : i32
      %convert_element_type3A = arith.extui %gt3A_97 : i1 to i32
      %cond3A = arith.constant 0 : i32
      %cond3A_98 = arith.cmpi ne, %convert_element_type3A, %cond3A : i32
      scf.if %cond3A_98 {
        %sub3A_216 = arith.constant 1 : i32
        %sub3A_217 = arith.subi %add3A_86, %sub3A_216 : i32
        %dma_wait3A_218 = arith.constant 0 : i32
        %dma_wait3A_219 = arith.constant 0 : i32
        %dma_wait3A_220 = arith.constant 0 : i32
        %dma_wait3A_221 = tpu.memref_slice %arg4[%sub3A_217, %dma_wait3A_218, %dma_wait3A_219, %dma_wait3A_220] : memref<1600x32x8x128xf32, #tpu.memory_space<hbm>> -> memref<1x16x8x128xf32, #tpu.memory_space<hbm>>
        %dma_wait3A_222 = tpu.memref_squeeze %dma_wait3A_221 : memref<1x16x8x128xf32, #tpu.memory_space<hbm>> -> memref<16x8x128xf32, #tpu.memory_space<hbm>>
        %dma_wait3A_223 = arith.constant 0 : i32
        %dma_wait3A_224 = arith.constant 0 : i32
        %dma_wait3A_225 = arith.constant 0 : i32
        %dma_wait3A_226 = tpu.memref_slice %arg4[%sub3A_217, %dma_wait3A_223, %dma_wait3A_224, %dma_wait3A_225] : memref<1600x32x8x128xf32, #tpu.memory_space<hbm>> -> memref<1x16x8x128xf32, #tpu.memory_space<hbm>>
        %dma_wait3A_227 = tpu.memref_squeeze %dma_wait3A_226 : memref<1x16x8x128xf32, #tpu.memory_space<hbm>> -> memref<16x8x128xf32, #tpu.memory_space<hbm>>
        tpu.wait_dma2 semaphore(%arg16 : memref<!tpu.dma_semaphore, #tpu.memory_space<semaphore_mem>>) src(%arg9 : memref<16x8x128xf32, #tpu.memory_space<vmem>>) dst(%dma_wait3A_227 : memref<16x8x128xf32, #tpu.memory_space<hbm>>)
      } else {
      }
      %dma_start3A_99 = arith.constant 0 : i32
      %dma_start3A_100 = arith.constant 0 : i32
      %dma_start3A_101 = arith.constant 0 : i32
      %dma_start3A_102 = tpu.memref_slice %arg4[%add3A_86, %dma_start3A_99, %dma_start3A_100, %dma_start3A_101] : memref<1600x32x8x128xf32, #tpu.memory_space<hbm>> -> memref<1x16x8x128xf32, #tpu.memory_space<hbm>>
      %dma_start3A_103 = tpu.memref_squeeze %dma_start3A_102 : memref<1x16x8x128xf32, #tpu.memory_space<hbm>> -> memref<16x8x128xf32, #tpu.memory_space<hbm>>
      %dma_start3A_104 = arith.constant 0 : i32
      %dma_start3A_105 = arith.constant 0 : i32
      %dma_start3A_106 = arith.constant 0 : i32
      %dma_start3A_107 = tpu.memref_slice %arg4[%add3A_86, %dma_start3A_104, %dma_start3A_105, %dma_start3A_106] : memref<1600x32x8x128xf32, #tpu.memory_space<hbm>> -> memref<1x16x8x128xf32, #tpu.memory_space<hbm>>
      %dma_start3A_108 = tpu.memref_squeeze %dma_start3A_107 : memref<1x16x8x128xf32, #tpu.memory_space<hbm>> -> memref<16x8x128xf32, #tpu.memory_space<hbm>>
      tpu.enqueue_dma source(%arg9 : memref<16x8x128xf32, #tpu.memory_space<vmem>>) target(%dma_start3A_108 : memref<16x8x128xf32, #tpu.memory_space<hbm>>) target_semaphore(%arg16 : memref<!tpu.dma_semaphore, #tpu.memory_space<semaphore_mem>>)
      %add3A_109 = arith.constant 2 : i32
      %add3A_110 = arith.addi %add3A_85, %add3A_109 : i32
      %lt3A = arith.constant 50 : i32
      %lt3A_111 = arith.cmpi slt, %add3A_110, %lt3A : i32
      %convert_element_type3A_112 = arith.extui %lt3A_111 : i1 to i32
      %cond3A_113 = arith.constant 0 : i32
      %cond3A_114 = arith.cmpi ne, %convert_element_type3A_112, %cond3A_113 : i32
      scf.if %cond3A_114 {
        %add3A_216 = arith.constant 2 : i32
        %add3A_217 = arith.addi %add3A_86, %add3A_216 : i32
        %dma_start3A_218 = arith.constant 0 : i32
        %dma_start3A_219 = arith.constant 0 : i32
        %dma_start3A_220 = arith.constant 0 : i32
        %dma_start3A_221 = tpu.memref_slice %arg2[%add3A_217, %dma_start3A_218, %dma_start3A_219, %dma_start3A_220] : memref<1600x32x8x128xf32, #tpu.memory_space<hbm>> -> memref<1x16x8x128xf32, #tpu.memory_space<hbm>>
        %dma_start3A_222 = tpu.memref_squeeze %dma_start3A_221 : memref<1x16x8x128xf32, #tpu.memory_space<hbm>> -> memref<16x8x128xf32, #tpu.memory_space<hbm>>
        %dma_start3A_223 = arith.constant 0 : i32
        %dma_start3A_224 = arith.constant 0 : i32
        %dma_start3A_225 = arith.constant 0 : i32
        %dma_start3A_226 = tpu.memref_slice %arg2[%add3A_217, %dma_start3A_223, %dma_start3A_224, %dma_start3A_225] : memref<1600x32x8x128xf32, #tpu.memory_space<hbm>> -> memref<1x16x8x128xf32, #tpu.memory_space<hbm>>
        %dma_start3A_227 = tpu.memref_squeeze %dma_start3A_226 : memref<1x16x8x128xf32, #tpu.memory_space<hbm>> -> memref<16x8x128xf32, #tpu.memory_space<hbm>>
        tpu.enqueue_dma source(%dma_start3A_227 : memref<16x8x128xf32, #tpu.memory_space<hbm>>) target(%arg5 : memref<16x8x128xf32, #tpu.memory_space<vmem>>) target_semaphore(%arg12 : memref<!tpu.dma_semaphore, #tpu.memory_space<semaphore_mem>>)
      } else {
      }
      %dma_wait3A_115 = arith.constant 16 : i32
      %dma_wait3A_116 = arith.constant 0 : i32
      %dma_wait3A_117 = arith.constant 0 : i32
      %dma_wait3A_118 = tpu.memref_slice %arg2[%add3A_86, %dma_wait3A_115, %dma_wait3A_116, %dma_wait3A_117] : memref<1600x32x8x128xf32, #tpu.memory_space<hbm>> -> memref<1x16x8x128xf32, #tpu.memory_space<hbm>>
      %dma_wait3A_119 = tpu.memref_squeeze %dma_wait3A_118 : memref<1x16x8x128xf32, #tpu.memory_space<hbm>> -> memref<16x8x128xf32, #tpu.memory_space<hbm>>
      %dma_wait3A_120 = arith.constant 16 : i32
      %dma_wait3A_121 = arith.constant 0 : i32
      %dma_wait3A_122 = arith.constant 0 : i32
      %dma_wait3A_123 = tpu.memref_slice %arg2[%add3A_86, %dma_wait3A_120, %dma_wait3A_121, %dma_wait3A_122] : memref<1600x32x8x128xf32, #tpu.memory_space<hbm>> -> memref<1x16x8x128xf32, #tpu.memory_space<hbm>>
      %dma_wait3A_124 = tpu.memref_squeeze %dma_wait3A_123 : memref<1x16x8x128xf32, #tpu.memory_space<hbm>> -> memref<16x8x128xf32, #tpu.memory_space<hbm>>
      tpu.wait_dma2 semaphore(%arg13 : memref<!tpu.dma_semaphore, #tpu.memory_space<semaphore_mem>>) src(%dma_wait3A_124 : memref<16x8x128xf32, #tpu.memory_space<hbm>>) dst(%arg6 : memref<16x8x128xf32, #tpu.memory_space<vmem>>)
      %gt3A_125 = arith.constant 0 : i32
      %gt3A_126 = arith.cmpi sgt, %add3A_85, %gt3A_125 : i32
      %convert_element_type3A_127 = arith.extui %gt3A_126 : i1 to i32
      %cond3A_128 = arith.constant 0 : i32
      %cond3A_129 = arith.cmpi ne, %convert_element_type3A_127, %cond3A_128 : i32
      scf.if %cond3A_129 {
        %sub3A_216 = arith.constant 1 : i32
        %sub3A_217 = arith.subi %add3A_86, %sub3A_216 : i32
        %dma_wait3A_218 = arith.constant 16 : i32
        %dma_wait3A_219 = arith.constant 0 : i32
        %dma_wait3A_220 = arith.constant 0 : i32
        %dma_wait3A_221 = tpu.memref_slice %arg4[%sub3A_217, %dma_wait3A_218, %dma_wait3A_219, %dma_wait3A_220] : memref<1600x32x8x128xf32, #tpu.memory_space<hbm>> -> memref<1x16x8x128xf32, #tpu.memory_space<hbm>>
        %dma_wait3A_222 = tpu.memref_squeeze %dma_wait3A_221 : memref<1x16x8x128xf32, #tpu.memory_space<hbm>> -> memref<16x8x128xf32, #tpu.memory_space<hbm>>
        %dma_wait3A_223 = arith.constant 16 : i32
        %dma_wait3A_224 = arith.constant 0 : i32
        %dma_wait3A_225 = arith.constant 0 : i32
        %dma_wait3A_226 = tpu.memref_slice %arg4[%sub3A_217, %dma_wait3A_223, %dma_wait3A_224, %dma_wait3A_225] : memref<1600x32x8x128xf32, #tpu.memory_space<hbm>> -> memref<1x16x8x128xf32, #tpu.memory_space<hbm>>
        %dma_wait3A_227 = tpu.memref_squeeze %dma_wait3A_226 : memref<1x16x8x128xf32, #tpu.memory_space<hbm>> -> memref<16x8x128xf32, #tpu.memory_space<hbm>>
        tpu.wait_dma2 semaphore(%arg17 : memref<!tpu.dma_semaphore, #tpu.memory_space<semaphore_mem>>) src(%arg10 : memref<16x8x128xf32, #tpu.memory_space<vmem>>) dst(%dma_wait3A_227 : memref<16x8x128xf32, #tpu.memory_space<hbm>>)
      } else {
      }
      %dma_start3A_130 = arith.constant 16 : i32
      %dma_start3A_131 = arith.constant 0 : i32
      %dma_start3A_132 = arith.constant 0 : i32
      %dma_start3A_133 = tpu.memref_slice %arg4[%add3A_86, %dma_start3A_130, %dma_start3A_131, %dma_start3A_132] : memref<1600x32x8x128xf32, #tpu.memory_space<hbm>> -> memref<1x16x8x128xf32, #tpu.memory_space<hbm>>
      %dma_start3A_134 = tpu.memref_squeeze %dma_start3A_133 : memref<1x16x8x128xf32, #tpu.memory_space<hbm>> -> memref<16x8x128xf32, #tpu.memory_space<hbm>>
      %dma_start3A_135 = arith.constant 16 : i32
      %dma_start3A_136 = arith.constant 0 : i32
      %dma_start3A_137 = arith.constant 0 : i32
      %dma_start3A_138 = tpu.memref_slice %arg4[%add3A_86, %dma_start3A_135, %dma_start3A_136, %dma_start3A_137] : memref<1600x32x8x128xf32, #tpu.memory_space<hbm>> -> memref<1x16x8x128xf32, #tpu.memory_space<hbm>>
      %dma_start3A_139 = tpu.memref_squeeze %dma_start3A_138 : memref<1x16x8x128xf32, #tpu.memory_space<hbm>> -> memref<16x8x128xf32, #tpu.memory_space<hbm>>
      tpu.enqueue_dma source(%arg10 : memref<16x8x128xf32, #tpu.memory_space<vmem>>) target(%dma_start3A_139 : memref<16x8x128xf32, #tpu.memory_space<hbm>>) target_semaphore(%arg17 : memref<!tpu.dma_semaphore, #tpu.memory_space<semaphore_mem>>)
      %add3A_140 = arith.constant 2 : i32
      %add3A_141 = arith.addi %add3A_85, %add3A_140 : i32
      %lt3A_142 = arith.constant 50 : i32
      %lt3A_143 = arith.cmpi slt, %add3A_141, %lt3A_142 : i32
      %convert_element_type3A_144 = arith.extui %lt3A_143 : i1 to i32
      %cond3A_145 = arith.constant 0 : i32
      %cond3A_146 = arith.cmpi ne, %convert_element_type3A_144, %cond3A_145 : i32
      scf.if %cond3A_146 {
        %add3A_216 = arith.constant 2 : i32
        %add3A_217 = arith.addi %add3A_86, %add3A_216 : i32
        %dma_start3A_218 = arith.constant 16 : i32
        %dma_start3A_219 = arith.constant 0 : i32
        %dma_start3A_220 = arith.constant 0 : i32
        %dma_start3A_221 = tpu.memref_slice %arg2[%add3A_217, %dma_start3A_218, %dma_start3A_219, %dma_start3A_220] : memref<1600x32x8x128xf32, #tpu.memory_space<hbm>> -> memref<1x16x8x128xf32, #tpu.memory_space<hbm>>
        %dma_start3A_222 = tpu.memref_squeeze %dma_start3A_221 : memref<1x16x8x128xf32, #tpu.memory_space<hbm>> -> memref<16x8x128xf32, #tpu.memory_space<hbm>>
        %dma_start3A_223 = arith.constant 16 : i32
        %dma_start3A_224 = arith.constant 0 : i32
        %dma_start3A_225 = arith.constant 0 : i32
        %dma_start3A_226 = tpu.memref_slice %arg2[%add3A_217, %dma_start3A_223, %dma_start3A_224, %dma_start3A_225] : memref<1600x32x8x128xf32, #tpu.memory_space<hbm>> -> memref<1x16x8x128xf32, #tpu.memory_space<hbm>>
        %dma_start3A_227 = tpu.memref_squeeze %dma_start3A_226 : memref<1x16x8x128xf32, #tpu.memory_space<hbm>> -> memref<16x8x128xf32, #tpu.memory_space<hbm>>
        tpu.enqueue_dma source(%dma_start3A_227 : memref<16x8x128xf32, #tpu.memory_space<hbm>>) target(%arg6 : memref<16x8x128xf32, #tpu.memory_space<vmem>>) target_semaphore(%arg13 : memref<!tpu.dma_semaphore, #tpu.memory_space<semaphore_mem>>)
      } else {
      }
      %mul3A_147 = arith.constant 2 : i32
      %mul3A_148 = arith.muli %mul3A_147, %scan3A_81 : i32
      %add3A_149 = arith.constant 1 : i32
      %add3A_150 = arith.addi %mul3A_148, %add3A_149 : i32
      %add3A_151 = arith.addi %mul3A_2, %add3A_150 : i32
      %dma_wait3A_152 = arith.constant 0 : i32
      %dma_wait3A_153 = arith.constant 0 : i32
      %dma_wait3A_154 = arith.constant 0 : i32
      %dma_wait3A_155 = tpu.memref_slice %arg2[%add3A_151, %dma_wait3A_152, %dma_wait3A_153, %dma_wait3A_154] : memref<1600x32x8x128xf32, #tpu.memory_space<hbm>> -> memref<1x16x8x128xf32, #tpu.memory_space<hbm>>
      %dma_wait3A_156 = tpu.memref_squeeze %dma_wait3A_155 : memref<1x16x8x128xf32, #tpu.memory_space<hbm>> -> memref<16x8x128xf32, #tpu.memory_space<hbm>>
      %dma_wait3A_157 = arith.constant 0 : i32
      %dma_wait3A_158 = arith.constant 0 : i32
      %dma_wait3A_159 = arith.constant 0 : i32
      %dma_wait3A_160 = tpu.memref_slice %arg2[%add3A_151, %dma_wait3A_157, %dma_wait3A_158, %dma_wait3A_159] : memref<1600x32x8x128xf32, #tpu.memory_space<hbm>> -> memref<1x16x8x128xf32, #tpu.memory_space<hbm>>
      %dma_wait3A_161 = tpu.memref_squeeze %dma_wait3A_160 : memref<1x16x8x128xf32, #tpu.memory_space<hbm>> -> memref<16x8x128xf32, #tpu.memory_space<hbm>>
      tpu.wait_dma2 semaphore(%arg14 : memref<!tpu.dma_semaphore, #tpu.memory_space<semaphore_mem>>) src(%dma_wait3A_161 : memref<16x8x128xf32, #tpu.memory_space<hbm>>) dst(%arg7 : memref<16x8x128xf32, #tpu.memory_space<vmem>>)
      %gt3A_162 = arith.constant 0 : i32
      %gt3A_163 = arith.cmpi sgt, %add3A_150, %gt3A_162 : i32
      %convert_element_type3A_164 = arith.extui %gt3A_163 : i1 to i32
      %cond3A_165 = arith.constant 0 : i32
      %cond3A_166 = arith.cmpi ne, %convert_element_type3A_164, %cond3A_165 : i32
      scf.if %cond3A_166 {
        %sub3A_216 = arith.constant 1 : i32
        %sub3A_217 = arith.subi %add3A_151, %sub3A_216 : i32
        %dma_wait3A_218 = arith.constant 0 : i32
        %dma_wait3A_219 = arith.constant 0 : i32
        %dma_wait3A_220 = arith.constant 0 : i32
        %dma_wait3A_221 = tpu.memref_slice %arg4[%sub3A_217, %dma_wait3A_218, %dma_wait3A_219, %dma_wait3A_220] : memref<1600x32x8x128xf32, #tpu.memory_space<hbm>> -> memref<1x16x8x128xf32, #tpu.memory_space<hbm>>
        %dma_wait3A_222 = tpu.memref_squeeze %dma_wait3A_221 : memref<1x16x8x128xf32, #tpu.memory_space<hbm>> -> memref<16x8x128xf32, #tpu.memory_space<hbm>>
        %dma_wait3A_223 = arith.constant 0 : i32
        %dma_wait3A_224 = arith.constant 0 : i32
        %dma_wait3A_225 = arith.constant 0 : i32
        %dma_wait3A_226 = tpu.memref_slice %arg4[%sub3A_217, %dma_wait3A_223, %dma_wait3A_224, %dma_wait3A_225] : memref<1600x32x8x128xf32, #tpu.memory_space<hbm>> -> memref<1x16x8x128xf32, #tpu.memory_space<hbm>>
        %dma_wait3A_227 = tpu.memref_squeeze %dma_wait3A_226 : memref<1x16x8x128xf32, #tpu.memory_space<hbm>> -> memref<16x8x128xf32, #tpu.memory_space<hbm>>
        tpu.wait_dma2 semaphore(%arg16 : memref<!tpu.dma_semaphore, #tpu.memory_space<semaphore_mem>>) src(%arg9 : memref<16x8x128xf32, #tpu.memory_space<vmem>>) dst(%dma_wait3A_227 : memref<16x8x128xf32, #tpu.memory_space<hbm>>)
      } else {
      }
      %dma_start3A_167 = arith.constant 0 : i32
      %dma_start3A_168 = arith.constant 0 : i32
      %dma_start3A_169 = arith.constant 0 : i32
      %dma_start3A_170 = tpu.memref_slice %arg4[%add3A_151, %dma_start3A_167, %dma_start3A_168, %dma_start3A_169] : memref<1600x32x8x128xf32, #tpu.memory_space<hbm>> -> memref<1x16x8x128xf32, #tpu.memory_space<hbm>>
      %dma_start3A_171 = tpu.memref_squeeze %dma_start3A_170 : memref<1x16x8x128xf32, #tpu.memory_space<hbm>> -> memref<16x8x128xf32, #tpu.memory_space<hbm>>
      %dma_start3A_172 = arith.constant 0 : i32
      %dma_start3A_173 = arith.constant 0 : i32
      %dma_start3A_174 = arith.constant 0 : i32
      %dma_start3A_175 = tpu.memref_slice %arg4[%add3A_151, %dma_start3A_172, %dma_start3A_173, %dma_start3A_174] : memref<1600x32x8x128xf32, #tpu.memory_space<hbm>> -> memref<1x16x8x128xf32, #tpu.memory_space<hbm>>
      %dma_start3A_176 = tpu.memref_squeeze %dma_start3A_175 : memref<1x16x8x128xf32, #tpu.memory_space<hbm>> -> memref<16x8x128xf32, #tpu.memory_space<hbm>>
      tpu.enqueue_dma source(%arg9 : memref<16x8x128xf32, #tpu.memory_space<vmem>>) target(%dma_start3A_176 : memref<16x8x128xf32, #tpu.memory_space<hbm>>) target_semaphore(%arg16 : memref<!tpu.dma_semaphore, #tpu.memory_space<semaphore_mem>>)
      %add3A_177 = arith.constant 2 : i32
      %add3A_178 = arith.addi %add3A_150, %add3A_177 : i32
      %lt3A_179 = arith.constant 50 : i32
      %lt3A_180 = arith.cmpi slt, %add3A_178, %lt3A_179 : i32
      %convert_element_type3A_181 = arith.extui %lt3A_180 : i1 to i32
      %cond3A_182 = arith.constant 0 : i32
      %cond3A_183 = arith.cmpi ne, %convert_element_type3A_181, %cond3A_182 : i32
      scf.if %cond3A_183 {
        %add3A_216 = arith.constant 2 : i32
        %add3A_217 = arith.addi %add3A_151, %add3A_216 : i32
        %dma_start3A_218 = arith.constant 0 : i32
        %dma_start3A_219 = arith.constant 0 : i32
        %dma_start3A_220 = arith.constant 0 : i32
        %dma_start3A_221 = tpu.memref_slice %arg2[%add3A_217, %dma_start3A_218, %dma_start3A_219, %dma_start3A_220] : memref<1600x32x8x128xf32, #tpu.memory_space<hbm>> -> memref<1x16x8x128xf32, #tpu.memory_space<hbm>>
        %dma_start3A_222 = tpu.memref_squeeze %dma_start3A_221 : memref<1x16x8x128xf32, #tpu.memory_space<hbm>> -> memref<16x8x128xf32, #tpu.memory_space<hbm>>
        %dma_start3A_223 = arith.constant 0 : i32
        %dma_start3A_224 = arith.constant 0 : i32
        %dma_start3A_225 = arith.constant 0 : i32
        %dma_start3A_226 = tpu.memref_slice %arg2[%add3A_217, %dma_start3A_223, %dma_start3A_224, %dma_start3A_225] : memref<1600x32x8x128xf32, #tpu.memory_space<hbm>> -> memref<1x16x8x128xf32, #tpu.memory_space<hbm>>
        %dma_start3A_227 = tpu.memref_squeeze %dma_start3A_226 : memref<1x16x8x128xf32, #tpu.memory_space<hbm>> -> memref<16x8x128xf32, #tpu.memory_space<hbm>>
        tpu.enqueue_dma source(%dma_start3A_227 : memref<16x8x128xf32, #tpu.memory_space<hbm>>) target(%arg7 : memref<16x8x128xf32, #tpu.memory_space<vmem>>) target_semaphore(%arg14 : memref<!tpu.dma_semaphore, #tpu.memory_space<semaphore_mem>>)
      } else {
      }
      %dma_wait3A_184 = arith.constant 16 : i32
      %dma_wait3A_185 = arith.constant 0 : i32
      %dma_wait3A_186 = arith.constant 0 : i32
      %dma_wait3A_187 = tpu.memref_slice %arg2[%add3A_151, %dma_wait3A_184, %dma_wait3A_185, %dma_wait3A_186] : memref<1600x32x8x128xf32, #tpu.memory_space<hbm>> -> memref<1x16x8x128xf32, #tpu.memory_space<hbm>>
      %dma_wait3A_188 = tpu.memref_squeeze %dma_wait3A_187 : memref<1x16x8x128xf32, #tpu.memory_space<hbm>> -> memref<16x8x128xf32, #tpu.memory_space<hbm>>
      %dma_wait3A_189 = arith.constant 16 : i32
      %dma_wait3A_190 = arith.constant 0 : i32
      %dma_wait3A_191 = arith.constant 0 : i32
      %dma_wait3A_192 = tpu.memref_slice %arg2[%add3A_151, %dma_wait3A_189, %dma_wait3A_190, %dma_wait3A_191] : memref<1600x32x8x128xf32, #tpu.memory_space<hbm>> -> memref<1x16x8x128xf32, #tpu.memory_space<hbm>>
      %dma_wait3A_193 = tpu.memref_squeeze %dma_wait3A_192 : memref<1x16x8x128xf32, #tpu.memory_space<hbm>> -> memref<16x8x128xf32, #tpu.memory_space<hbm>>
      tpu.wait_dma2 semaphore(%arg15 : memref<!tpu.dma_semaphore, #tpu.memory_space<semaphore_mem>>) src(%dma_wait3A_193 : memref<16x8x128xf32, #tpu.memory_space<hbm>>) dst(%arg8 : memref<16x8x128xf32, #tpu.memory_space<vmem>>)
      %gt3A_194 = arith.constant 0 : i32
      %gt3A_195 = arith.cmpi sgt, %add3A_150, %gt3A_194 : i32
      %convert_element_type3A_196 = arith.extui %gt3A_195 : i1 to i32
      %cond3A_197 = arith.constant 0 : i32
      %cond3A_198 = arith.cmpi ne, %convert_element_type3A_196, %cond3A_197 : i32
      scf.if %cond3A_198 {
        %sub3A_216 = arith.constant 1 : i32
        %sub3A_217 = arith.subi %add3A_151, %sub3A_216 : i32
        %dma_wait3A_218 = arith.constant 16 : i32
        %dma_wait3A_219 = arith.constant 0 : i32
        %dma_wait3A_220 = arith.constant 0 : i32
        %dma_wait3A_221 = tpu.memref_slice %arg4[%sub3A_217, %dma_wait3A_218, %dma_wait3A_219, %dma_wait3A_220] : memref<1600x32x8x128xf32, #tpu.memory_space<hbm>> -> memref<1x16x8x128xf32, #tpu.memory_space<hbm>>
        %dma_wait3A_222 = tpu.memref_squeeze %dma_wait3A_221 : memref<1x16x8x128xf32, #tpu.memory_space<hbm>> -> memref<16x8x128xf32, #tpu.memory_space<hbm>>
        %dma_wait3A_223 = arith.constant 16 : i32
        %dma_wait3A_224 = arith.constant 0 : i32
        %dma_wait3A_225 = arith.constant 0 : i32
        %dma_wait3A_226 = tpu.memref_slice %arg4[%sub3A_217, %dma_wait3A_223, %dma_wait3A_224, %dma_wait3A_225] : memref<1600x32x8x128xf32, #tpu.memory_space<hbm>> -> memref<1x16x8x128xf32, #tpu.memory_space<hbm>>
        %dma_wait3A_227 = tpu.memref_squeeze %dma_wait3A_226 : memref<1x16x8x128xf32, #tpu.memory_space<hbm>> -> memref<16x8x128xf32, #tpu.memory_space<hbm>>
        tpu.wait_dma2 semaphore(%arg17 : memref<!tpu.dma_semaphore, #tpu.memory_space<semaphore_mem>>) src(%arg10 : memref<16x8x128xf32, #tpu.memory_space<vmem>>) dst(%dma_wait3A_227 : memref<16x8x128xf32, #tpu.memory_space<hbm>>)
      } else {
      }
      %dma_start3A_199 = arith.constant 16 : i32
      %dma_start3A_200 = arith.constant 0 : i32
      %dma_start3A_201 = arith.constant 0 : i32
      %dma_start3A_202 = tpu.memref_slice %arg4[%add3A_151, %dma_start3A_199, %dma_start3A_200, %dma_start3A_201] : memref<1600x32x8x128xf32, #tpu.memory_space<hbm>> -> memref<1x16x8x128xf32, #tpu.memory_space<hbm>>
      %dma_start3A_203 = tpu.memref_squeeze %dma_start3A_202 : memref<1x16x8x128xf32, #tpu.memory_space<hbm>> -> memref<16x8x128xf32, #tpu.memory_space<hbm>>
      %dma_start3A_204 = arith.constant 16 : i32
      %dma_start3A_205 = arith.constant 0 : i32
      %dma_start3A_206 = arith.constant 0 : i32
      %dma_start3A_207 = tpu.memref_slice %arg4[%add3A_151, %dma_start3A_204, %dma_start3A_205, %dma_start3A_206] : memref<1600x32x8x128xf32, #tpu.memory_space<hbm>> -> memref<1x16x8x128xf32, #tpu.memory_space<hbm>>
      %dma_start3A_208 = tpu.memref_squeeze %dma_start3A_207 : memref<1x16x8x128xf32, #tpu.memory_space<hbm>> -> memref<16x8x128xf32, #tpu.memory_space<hbm>>
      tpu.enqueue_dma source(%arg10 : memref<16x8x128xf32, #tpu.memory_space<vmem>>) target(%dma_start3A_208 : memref<16x8x128xf32, #tpu.memory_space<hbm>>) target_semaphore(%arg17 : memref<!tpu.dma_semaphore, #tpu.memory_space<semaphore_mem>>)
      %add3A_209 = arith.constant 2 : i32
      %add3A_210 = arith.addi %add3A_150, %add3A_209 : i32
      %lt3A_211 = arith.constant 50 : i32
      %lt3A_212 = arith.cmpi slt, %add3A_210, %lt3A_211 : i32
      %convert_element_type3A_213 = arith.extui %lt3A_212 : i1 to i32
      %cond3A_214 = arith.constant 0 : i32
      %cond3A_215 = arith.cmpi ne, %convert_element_type3A_213, %cond3A_214 : i32
      scf.if %cond3A_215 {
        %add3A_216 = arith.constant 2 : i32
        %add3A_217 = arith.addi %add3A_151, %add3A_216 : i32
        %dma_start3A_218 = arith.constant 16 : i32
        %dma_start3A_219 = arith.constant 0 : i32
        %dma_start3A_220 = arith.constant 0 : i32
        %dma_start3A_221 = tpu.memref_slice %arg2[%add3A_217, %dma_start3A_218, %dma_start3A_219, %dma_start3A_220] : memref<1600x32x8x128xf32, #tpu.memory_space<hbm>> -> memref<1x16x8x128xf32, #tpu.memory_space<hbm>>
        %dma_start3A_222 = tpu.memref_squeeze %dma_start3A_221 : memref<1x16x8x128xf32, #tpu.memory_space<hbm>> -> memref<16x8x128xf32, #tpu.memory_space<hbm>>
        %dma_start3A_223 = arith.constant 16 : i32
        %dma_start3A_224 = arith.constant 0 : i32
        %dma_start3A_225 = arith.constant 0 : i32
        %dma_start3A_226 = tpu.memref_slice %arg2[%add3A_217, %dma_start3A_223, %dma_start3A_224, %dma_start3A_225] : memref<1600x32x8x128xf32, #tpu.memory_space<hbm>> -> memref<1x16x8x128xf32, #tpu.memory_space<hbm>>
        %dma_start3A_227 = tpu.memref_squeeze %dma_start3A_226 : memref<1x16x8x128xf32, #tpu.memory_space<hbm>> -> memref<16x8x128xf32, #tpu.memory_space<hbm>>
        tpu.enqueue_dma source(%dma_start3A_227 : memref<16x8x128xf32, #tpu.memory_space<hbm>>) target(%arg8 : memref<16x8x128xf32, #tpu.memory_space<vmem>>) target_semaphore(%arg15 : memref<!tpu.dma_semaphore, #tpu.memory_space<semaphore_mem>>)
      } else {
      }
    }
    %scan3A_54 = arith.constant 25 : i32
    %add3A_55 = arith.constant 50 : i32
    %add3A_56 = arith.addi %mul3A_2, %add3A_55 : i32
    %sub3A = arith.constant 1 : i32
    %sub3A_57 = arith.subi %add3A_56, %sub3A : i32
    %dma_wait3A = arith.constant 0 : i32
    %dma_wait3A_58 = arith.constant 0 : i32
    %dma_wait3A_59 = arith.constant 0 : i32
    %dma_wait3A_60 = tpu.memref_slice %arg4[%sub3A_57, %dma_wait3A, %dma_wait3A_58, %dma_wait3A_59] : memref<1600x32x8x128xf32, #tpu.memory_space<hbm>> -> memref<1x16x8x128xf32, #tpu.memory_space<hbm>>
    %dma_wait3A_61 = tpu.memref_squeeze %dma_wait3A_60 : memref<1x16x8x128xf32, #tpu.memory_space<hbm>> -> memref<16x8x128xf32, #tpu.memory_space<hbm>>
    %dma_wait3A_62 = arith.constant 0 : i32
    %dma_wait3A_63 = arith.constant 0 : i32
    %dma_wait3A_64 = arith.constant 0 : i32
    %dma_wait3A_65 = tpu.memref_slice %arg4[%sub3A_57, %dma_wait3A_62, %dma_wait3A_63, %dma_wait3A_64] : memref<1600x32x8x128xf32, #tpu.memory_space<hbm>> -> memref<1x16x8x128xf32, #tpu.memory_space<hbm>>
    %dma_wait3A_66 = tpu.memref_squeeze %dma_wait3A_65 : memref<1x16x8x128xf32, #tpu.memory_space<hbm>> -> memref<16x8x128xf32, #tpu.memory_space<hbm>>
    tpu.wait_dma2 semaphore(%arg16 : memref<!tpu.dma_semaphore, #tpu.memory_space<semaphore_mem>>) src(%arg9 : memref<16x8x128xf32, #tpu.memory_space<vmem>>) dst(%dma_wait3A_66 : memref<16x8x128xf32, #tpu.memory_space<hbm>>)
    %add3A_67 = arith.constant 50 : i32
    %add3A_68 = arith.addi %mul3A_2, %add3A_67 : i32
    %sub3A_69 = arith.constant 1 : i32
    %sub3A_70 = arith.subi %add3A_68, %sub3A_69 : i32
    %dma_wait3A_71 = arith.constant 16 : i32
    %dma_wait3A_72 = arith.constant 0 : i32
    %dma_wait3A_73 = arith.constant 0 : i32
    %dma_wait3A_74 = tpu.memref_slice %arg4[%sub3A_70, %dma_wait3A_71, %dma_wait3A_72, %dma_wait3A_73] : memref<1600x32x8x128xf32, #tpu.memory_space<hbm>> -> memref<1x16x8x128xf32, #tpu.memory_space<hbm>>
    %dma_wait3A_75 = tpu.memref_squeeze %dma_wait3A_74 : memref<1x16x8x128xf32, #tpu.memory_space<hbm>> -> memref<16x8x128xf32, #tpu.memory_space<hbm>>
    %dma_wait3A_76 = arith.constant 16 : i32
    %dma_wait3A_77 = arith.constant 0 : i32
    %dma_wait3A_78 = arith.constant 0 : i32
    %dma_wait3A_79 = tpu.memref_slice %arg4[%sub3A_70, %dma_wait3A_76, %dma_wait3A_77, %dma_wait3A_78] : memref<1600x32x8x128xf32, #tpu.memory_space<hbm>> -> memref<1x16x8x128xf32, #tpu.memory_space<hbm>>
    %dma_wait3A_80 = tpu.memref_squeeze %dma_wait3A_79 : memref<1x16x8x128xf32, #tpu.memory_space<hbm>> -> memref<16x8x128xf32, #tpu.memory_space<hbm>>
    tpu.wait_dma2 semaphore(%arg17 : memref<!tpu.dma_semaphore, #tpu.memory_space<semaphore_mem>>) src(%arg10 : memref<16x8x128xf32, #tpu.memory_space<vmem>>) dst(%dma_wait3A_80 : memref<16x8x128xf32, #tpu.memory_space<hbm>>)
    return
  }
}

</mosaic_0001>

<sc_bundles>
// kernel: kernel.3.cloned.1.call-start
scs
__scs_entry_jumppad:
0x0: {  	(pc) =	sbr.rel $0x88, $3  }
0x1: {  	(tag) =	ssettag $0x0;
	lr =	simm.s32 $0x1  }
0x2: {  	[smem:$0x3F9F] =	sst lr;
	_ =	strace $0xD0000000  }
0x3: {  	_ = 	snop  }
0x4: {  	_ = 	snop  }
0x5: {  	_ = 	snop  }
0x6: {  	_ = 	snop  }
0x7: {  	_ = 	snop  }
__scs_overlays_trampoline_lowered:
0x8: {  	[smem:$0x3FAE] =	sst s0  }
0x9: {  	[smem:$0x3FAF] =	sst s1  }
0xa: {  	[smem:$0x3FB0] =	sst s2  }
0xb: {  	[smem:$0x3FB1] =	sst s3  }
0xc: {  	[smem:$0x3FB2] =	sst s4  }
0xd: {  	[smem:$0x3FB3] =	sst s5  }
0xe: {  	[smem:$0x3FB4] =	sst s6  }
0xf: {  	[smem:$0x3FB5] =	sst s7  }
0x10: {  	[smem:$0x3FB6] =	sst s8  }
0x11: {  	[smem:$0x3FB7] =	sst s9;
	s0 =	simm.s32 @!p0 $0x0  }
0x12: {  	s1 =	sld [smem:$0x3F9D];
	s0 =	simm.s32 @p0 $0x1  }
0x13: {  	[smem:$0x3FB8] =	sst s0;
	s0 =	simm.s32 @!p1 $0x0  }
0x14: {  	s2 =	sld [smem:$0x3F9C];
	s0 =	simm.s32 @p1 $0x1  }
0x15: {  	[smem:$0x3FB9] =	sst s0;
	s0 =	simm.s32 @!p2 $0x0  }
0x16: {  	s3 =	sld [smem:$0x3FDB];
	s0 =	simm.s32 @p2 $0x1  }
0x17: {  	s4 =	simm.s32 $0x1BF5;
	[smem:$0x3FBB] =	sst s0  }
0x18: {  	s0 =	sld [smem:$0x3F9E];
	_ =	swait.ge [sflag:s4], $0x0  }
0x19: {  	s7 =	sld [smem:$0x3F9F]  }
0x1a: {  	s8 =	sadd.s32 $0xFFFFE003, lr  }
0x1b: {  	s9 =	sadd.s32 $0xFFFFFEF7, lr;
	s5 =	simm.s32 $0xFFFFFFFF;
	p2 =	slt.u32 s8, $0xFFFFF086  }
0x1c: {  	p1 =	slt.u32 s9, $0xF7A;
	s5 =	simm.s32 @!p2 $0x0  }
0x1d: {  	s5 =	simm.s32 @p1 $0x1;
	p0 =	seq.s32 s7, s2  }
0x1e: {  	s7 =	smul.u32 @!p0 $0xF7A, s2;
	p2 =	seq.s32 @!p0 s5, $0x0  }
0x1f: {  	s9 =	smul.u32 $0xF7A, s1;
	s8 =	simm.s32 @!p0 $0x1BF5;
	p2 =	por !p2, p0  }
0x20: {  	[sflag:s8] =	ssyncset.s32 @!p0 $0xFFFFF086;
	s6 =	sadd.s32 @!p0 s3, s7;
	s7 =	simm.s32 @!p0 $0x108  }
0x21: {  	s3 =	sadd.s32 s3, s9;
	s6 =	sadd.s32 @!p0 $0x88, s6;
	s7 =	simm.s32 @p2 $0x1082  }
0x22: {  	[simem:s7], [sflag:s8] =	dma.local @!p0 [hbm:s6], $0xF7A  }
0x23: {  	s9 =	sor.u32 $0xD0000000, s2;
	s6 =	simm.s32 $0x108;
	_ =	swait.ge @!p0 [sflag:s8], $0x0  }
0x24: {  	s3 =	sadd.s32 $0x88, s3;
	s6 =	simm.s32 @!p1 $0x1082;
	[sflag:s4] =	ssyncset.s32 $0xFFFFF086  }
0x25: {  	[simem:s6], [sflag:s4] =	dma.local [hbm:s3], $0xF7A  }
0x26: {  	[smem:$0x3F9F] =	sst s1;
	(tag) =	ssettag s2;
	_ =	strace s9  }
0x27: {  	s1 =	sld [smem:$0x3FAF]  }
0x28: {  	s2 =	sld [smem:$0x3FB0]  }
0x29: {  	s4 =	sld [smem:$0x3FB2]  }
0x2a: {  	p0 =	seq.s32 s5, $0x0;
	s5 =	sld [smem:$0x3FB3]  }
0x2b: {  	s6 =	sld [smem:$0x3FB4]  }
0x2c: {  	s7 =	sld [smem:$0x3FB5]  }
0x2d: {  	s3 =	simm.s32 $0x108;
	s8 =	sld [smem:$0x3FB6]  }
0x2e: {  	s3 =	simm.s32 @!p0 $0x1082;
	s9 =	sld [smem:$0x3FB7]  }
0x2f: {  	lr =	sadd.s32 s0, s3;
	s0 =	sld [smem:$0x3FAE]  }
0x30: {  	s3 =	sld [smem:$0x3FB1]  }
0x31: {  	[smem:$0x3FBA] =	sst s10  }
0x32: {  	s10 =	sld [smem:$0x3FB8];
	_ =	sdelay $0x3  }
0x33: {  	p0 =	seq.s32 s10, $0x1;
	s10 =	sld [smem:$0x3FBA];
	_ =	sdelay $0x3  }
0x34: {  	[smem:$0x3FBA] =	sst s10  }
0x35: {  	s10 =	sld [smem:$0x3FB9];
	_ =	sdelay $0x3  }
0x36: {  	p1 =	seq.s32 s10, $0x1;
	s10 =	sld [smem:$0x3FBA];
	_ =	sdelay $0x3  }
0x37: {  	[smem:$0x3FBA] =	sst s10  }
0x38: {  	s10 =	sld [smem:$0x3FBB]  }
0x39: {  	_ = 	snop;
	(pc) =	sbr.ind lr, $3  }
0x3a: {  	_ = 	snop  }
0x3b: {  	_ = 	snop  }
0x3c: {  	p2 =	seq.s32 s10, $0x1;
	s10 =	sld [smem:$0x3FBA]  }
0x3d: {  	_ =	shalt  }
0x3e: {  	_ =	shalt  }
0x3f: {  	_ =	shalt  }
0x40: {  	_ =	shalt  }
0x41: {  	_ =	shalt  }
0x42: {  	_ =	shalt  }
0x43: {  	_ =	shalt  }
0x44: {  	_ =	shalt  }
0x45: {  	_ =	shalt  }
0x46: {  	_ =	shalt  }
0x47: {  	_ =	shalt  }
0x48: {  	_ =	shalt  }
0x49: {  	_ =	shalt  }
0x4a: {  	_ =	shalt  }
0x4b: {  	_ =	shalt  }
0x4c: {  	_ =	shalt  }
0x4d: {  	_ =	shalt  }
0x4e: {  	_ =	shalt  }
0x4f: {  	_ =	shalt  }
0x50: {  	_ =	shalt  }
0x51: {  	_ =	shalt  }
0x52: {  	_ =	shalt  }
0x53: {  	_ =	shalt  }
0x54: {  	_ =	shalt  }
0x55: {  	_ =	shalt  }
0x56: {  	_ =	shalt  }
0x57: {  	_ =	shalt  }
0x58: {  	_ =	shalt  }
0x59: {  	_ =	shalt  }
0x5a: {  	_ =	shalt  }
0x5b: {  	_ =	shalt  }
0x5c: {  	_ =	shalt  }
0x5d: {  	_ =	shalt  }
0x5e: {  	_ =	shalt  }
0x5f: {  	_ =	shalt  }
0x60: {  	_ =	shalt  }
0x61: {  	_ =	shalt  }
0x62: {  	_ =	shalt  }
0x63: {  	_ =	shalt  }
0x64: {  	_ =	shalt  }
0x65: {  	_ =	shalt  }
0x66: {  	_ =	shalt  }
0x67: {  	_ =	shalt  }
0x68: {  	_ =	shalt  }
0x69: {  	_ =	shalt  }
0x6a: {  	_ =	shalt  }
0x6b: {  	_ =	shalt  }
0x6c: {  	_ =	shalt  }
0x6d: {  	_ =	shalt  }
0x6e: {  	_ =	shalt  }
0x6f: {  	_ =	shalt  }
0x70: {  	_ =	shalt  }
0x71: {  	_ =	shalt  }
0x72: {  	_ =	shalt  }
0x73: {  	_ =	shalt  }
0x74: {  	_ =	shalt  }
0x75: {  	_ =	shalt  }
0x76: {  	_ =	shalt  }
0x77: {  	_ =	shalt  }
0x78: {  	_ =	shalt  }
0x79: {  	_ =	shalt  }
0x7a: {  	_ =	shalt  }
0x7b: {  	_ =	shalt  }
0x7c: {  	_ =	shalt  }
0x7d: {  	_ =	shalt  }
0x7e: {  	_ =	shalt  }
0x7f: {  	_ =	shalt  }
0x80: {  	_ =	shalt  }
0x81: {  	_ =	shalt  }
0x82: {  	_ =	shalt  }
0x83: {  	_ =	shalt  }
0x84: {  	_ =	shalt  }
0x85: {  	_ =	shalt  }
0x86: {  	_ =	shalt  }
0x87: {  	_ =	shalt  }
.Lfunc_end0:
.L_simem_size_0:
called_computation_lowered:
.L_overlay_start_0:
0x88: {  	s2 =	sld [smem:$0x3FD9]  }
0x89: {  	s3 =	sld [smem:$0x3FFE];
	_ =	sdelay $0x1  }
0x8a: {  	s1 =	srdreg.scid  }
0x8b: {  	s0 =	sand.u32 $0x1, s1  }
0x8c: {  	s17 =	sshll.u32 s0, $0xA;
	s2 =	sadd.s32 s3, s2  }
0x8d: {  	s2 =	sadd.s32 s2, s17  }
0x8e: {  	[smem:$0x3FC6] =	sst s2  }
0x8f: {  	_ = 	snop  }
0x90: {  	s2 =	sld [smem:$0x3FC9]  }
0x91: {  	s18 =	sld [smem:$0x3FD0];
	(tm) =	ssettm $0x1  }
0x92: {  	s4 =	sld [smem:$0x3FFB];
	_ =	sdelay $0x3  }
0x93: {  	_ =	strace s4  }
0x94: {  	s4 =	sld [smem:$0x3FFC];
	_ =	sdelay $0x3  }
0x95: {  	_ =	strace s4  }
0x96: {  	s4 =	sld [smem:$0x3FFD];
	_ =	sdelay $0x3  }
0x97: {  	_ =	strace s4  }
0x98: {  	_ =	strace $0x8FFFFFFF  }
0x99: {  	s19 =	sld [smem:$0x3FDB];
	_ =	sdelay $0x1  }
0x9a: {  	s5 =	simm.s32 $_scs_section_size  }
0x9b: {  	s6 =	simm.s32 $_size__tile_overlayer_lowered;
	s7 =	simm.s32 $_tile_overlayer_lowered  }
0x9c: {  	s22 =	simm.s32 $0x1BFF;
	s21 =	sshll.u32 s7, $0x1;
	s4 =	sadd.s32 s5, s19  }
0x9d: {  	s8 =	simm.s32 $0x0;
	s20 =	sshll.u32 s6, $0x1;
	s6 =	sadd.s32 s21, s4  }
0x9e: {  	[timem:s8], [sflag:s22] =	dma.local [hbm:s6], s20  }
0x9f: {  	_ =	swait.ge [sflag:s22], s20  }
0xa0: {  	s5 =	ssub.s32 $0x0, s20;
	[sflag:s22] =	ssyncset.done $0x0  }
0xa1: {  	[sflag:s22] =	ssyncadd.s32 s5;
	_ =	sdelay $0x1  }
0xa2: {  	s23 =	simm.s32 $0x1B8B  }
0xa3: {  	_ =	swait.ge [sflag:s23], $0x1  }
0xa4: {  	[sflag:s23] =	ssyncset.done $0x0  }
0xa5: {  	s25 =	simm.s32 $0x1B8E;
	s24 =	sld [smem:$0x3FFE];
	[sflag:s23] =	ssyncadd.s32 $0xFFFFFFFF  }
0xa6: {  	s26 =	simm.s32 $execute0_lowered;
	[smem:$0x3FD2] =	sst s25  }
0xa7: {  	s6 =	sshll.u32 s26, $0x1;
	_ =	strace $0x80000046;
	[dreg:$0x1] =	wrdreg $0xFFFFFFFF  }
0xa8: {  	s28 =	simm.s32 $_size_execute0_lowered;
	s4 =	sadd.s32 s4, s6;
	[dreg:$0x0] =	wrdreg $0x0  }
0xa9: {  	s6 =	sshll.u32 s28, $0x1;
	[dreg:$0x2] =	wrdreg s4  }
0xaa: {  	[dreg:$0x3] =	wrdreg s6  }
0xab: {  	[dreg:$0x4] =	wrdreg $0xC0  }
0xac: {  	_ =	task [dreg:s8], $0x5FFFF  }
0xad: {  	[dreg:$0x1] =	wrdreg $0xFFFFFFFF  }
0xae: {  	[dreg:$0x0] =	wrdreg $0x60  }
0xaf: {  	[dreg:$0x2] =	wrdreg s2  }
0xb0: {  	[dreg:$0x3] =	wrdreg s24  }
0xb1: {  	[dreg:$0x4] =	wrdreg s18  }
0xb2: {  	[dreg:$0x5] =	wrdreg $0x9  }
0xb3: {  	_ =	task.clear_ibuf [dreg:s8], $0x6FFFF;
	_ =	strace $0x90000046  }
0xb4: {  	s29 =	simm.s32 $0x9;
	_ =	strace $0x80000048  }
0xb5: {  	_ =	swait.ge [sflag:s29], $0x1  }
0xb6: {  	[sflag:s29] =	ssyncadd.s32 $0xFFFFFFFF  }
0xb7: {  	_ =	strace $0x90000048  }
0xb8: {  	_ =	sfence  }
0xb9: {  	s30 =	sld [smem:$0x0];
	_ =	sdelay $0x2  }
0xba: {  	s31 =	sshll.u32 s1, $0xD;
	s1 =	sshrl.u32 s1, $0x2  }
0xbb: {  	s3 =	sand.u32 $0x4000, s31;
	s1 =	sadd.s32 s1, s30  }
0xbc: {  	s0 =	sor.u32 s3, s0;
	s1 =	sshll.u32 s1, $0x11  }
0xbd: {  	s0 =	sor.u32 s1, s0  }
0xbe: {  	s0 =	sadd.s32 $0x8F2B, s0  }
0xbf: {  	[sflag:s0] =	ssyncadd.remote.s32 $0x1  }
0xc0: {  	_ =	sfence.sel $0xFFFF  }
0xc1: {  	[dreg:$0x0] =	wrdreg $0xFFFFFFFF;
	(pc) =	sbr.abs _section_cstart, $3  }
0xc2: {  	[dreg:$0x1] =	wrdreg $0xFFFFFFFF  }
0xc3: {  	_ =	task.clear_ibuf [dreg:s8], $0x2FFFF;
	_ =	strace $0x9FFFFFFF  }
0xc4: {  	(tm) =	ssettm $0x7FFFFFFF  }
0xc5: {  	_ =	shalt  }
tec
execute0_lowered:
.L_overlay_start_1:
0x0: {  	(tag) =	ssettag $0x1  }
0x1: {  	s8 =	rddreg [dreg:$0x0]  }
0x2: {  	s1 =	srdreg.scid;
	s3 =	rddreg [dreg:$0x1]  }
0x3: {  	s0 =	stileid.u32;
	s10 =	rddreg [dreg:$0x2];
	s2 =	simm.s32 $0x0  }
0x4: {  	s14 =	simm.s32 $0x8000;
	s15 =	simm.s32 $0xC000;
	s16 =	simm.s32 $0x1  }
0x5: {  	s17 =	simm.s32 $0x10000;
	s18 =	simm.s32 $0x2;
	s19 =	simm.s32 $0x6  }
0x6: {  	s20 =	simm.s32 $0x14000;
	s21 =	simm.s32 $0x3;
	s22 =	simm.s32 $0x5  }
0x7: {  	s23 =	simm.s32 $0x4;
	s24 =	simm.s32 $0x0;
	s6 =	sand.u32 $0x1, s1  }
0x8: {  	s30 =	sshll.u32 s0, $0x1;
	s1 =	rddreg [dreg:$0x3];
	s11 =	smul.u32 $0x64000, s0  }
0x9: {  	[smem:$0x7FF] =	sst s2;
	s4 =	sor.u32 s6, s30;
	s12 =	smul.u32 $0x32000, s6  }
0xa: {  	s7 =	ssub.s32 $0x2, s6;
	_ =	strace $0x80000047;
	s5 =	smul.u32 $0x380, s4  }
0xb: {  	s4 =	smul.u32 $0x32000, s4;
	s31 =	sshrl.u32 s7, $0x1;
	s13 =	sadd.s32 s11, s8  }
.Ltmp0:
0xc: {  	s10 =	sadd.s32 s11, s10;
	s11 =	simm.s32 $0x18000;
	(pc) =	sbr.rel .LBB2_1-.Ltmp0, $4  }
0xd: {  	s9 =	ssub.s32 s7, s31;
	s10 =	sadd.s32 s12, s10;
	s5 =	sadd.s32 s5, s3  }
0xe: {  	s3 =	sadd.s32 s8, s4;
	s8 =	smax.u32 s9, $0x1;
	s9 =	sadd.s32 s12, s13  }
0xf: {  	s12 =	simm.s32 $0x7;
	s13 =	simm.s32 $0x4000;
	s4 =	sadd.s32 $0x400, s5  }
0x10: {  	s5 =	sadd.s32 $0x800, s3;
	s6 =	sadd.s32 $0x1000, s3;
	s7 =	sadd.s32 $0x1800, s3  }
.LBB2_8:
0x11: {  	s24 =	sadd.s32 $0x1, s24  }
0x12: {  	_ =	swait.ge [sflag:s22], $0x4000;
	p0 =	sne.s32 s24, s8  }
.Ltmp1:
0x13: {  	[sflag:s22] =	ssyncset.done $0x0;
	(pc) =	sbr.rel @!p0 .LBB2_9-.Ltmp1, $4  }
0x14: {  	[sflag:s22] =	ssyncadd.s32 $0xFFFFC000  }
0x15: {  	_ =	swait.ge [sflag:s19], $0x4000  }
0x16: {  	[sflag:s19] =	ssyncset.done $0x0  }
0x17: {  	[sflag:s19] =	ssyncadd.s32 $0xFFFFC000  }
.LBB2_1:
0x18: {  	[tilespmem:s11], [sflag:$0x7] =	stream.linear.gather [hbm4b:s4+s2], $0x1C00, $0x38;
	[tilespmem:$0x19C00] =	vst v63  }
0x19: {  	_ =	swait.ge [sflag:s12], $0x1C00  }
0x1a: {  	[sflag:s12] =	ssyncset.done $0x0  }
0x1b: {  	[sflag:s12] =	ssyncadd.s32 $0xFFFFE400  }
0x1c: {  	[tilespmem:s2], [sflag:$0x1] =	stream.linear.gather [hbm4b:s3+s2], $0x4000, $0x38;
	[tilespmem:$0x19C00] =	vst v63  }
0x1d: {  	_ = 	snop  }
0x1e: {  	[tilespmem:s13], [sflag:$0x2] =	stream.linear.gather [hbm4b:s5+s2], $0x4000, $0x38;
	[tilespmem:$0x19C00] =	vst v63  }
0x1f: {  	_ = 	snop  }
0x20: {  	[tilespmem:s14], [sflag:$0x3] =	stream.linear.gather [hbm4b:s6+s2], $0x4000, $0x38;
	[tilespmem:$0x19C00] =	vst v63  }
0x21: {  	s25 =	simm.s32 $0x0  }
0x22: {  	[tilespmem:s15], [sflag:$0x4] =	stream.linear.gather [hbm4b:s7+s2], $0x4000, $0x38;
	[tilespmem:$0x19C00] =	vst v63  }
.LBB2_2:
0x23: {  	_ =	swait.ge [sflag:s16], $0x4000  }
0x24: {  	p0 =	seq.s32 s25, $0x0;
	p1 =	sne.s32 s25, $0x30000;
	[sflag:s16] =	ssyncset.done $0x0  }
.Ltmp2:
0x25: {  	s26 =	simm.s32 @!p0 $0x5;
	[sflag:s16] =	ssyncadd.s32 $0xFFFFC000;
	(pc) =	sbr.rel @p1 .LBB2_4-.Ltmp2, $4  }
0x26: {  	_ =	swait.ge @!p0 [sflag:s26], $0x4000  }
0x27: {  	[sflag:s26] =	ssyncset.done @!p0 $0x0  }
0x28: {  	[sflag:s26] =	ssyncadd.s32 @!p0 $0xFFFFC000;
	s26 =	sadd.s32 s25, s10  }
0x29: {  	[hbm4b:s26+s2] =	stream.linear.scatter [tilespmem:s17], [sflag:$0x5], $0x4000, $0x38;
	[tilespmem:$0x19C00] =	vst v63  }
.Ltmp3:
0x2a: {  	(pc) =	sbr.rel .LBB2_5-.Ltmp3, $4  }
0x2b: {  	_ = 	snop  }
0x2c: {  	_ =	swait.ge [sflag:s18], $0x4000  }
0x2d: {  	[sflag:s18] =	ssyncset.done $0x0  }
0x2e: {  	[sflag:s18] =	ssyncadd.s32 $0xFFFFC000  }
.LBB2_4:
0x2f: {  	s28 =	sadd.s32 s25, s9  }
.Ltmp4:
0x30: {  	s28 =	sadd.s32 $0x2000, s28;
	(pc) =	sbr.rel @p0 .LBB2_6-.Ltmp4, $4  }
0x31: {  	[tilespmem:s2], [sflag:$0x1] =	stream.linear.gather [hbm4b:s28+s2], $0x4000, $0x38;
	[tilespmem:$0x19C00] =	vst v63  }
0x32: {  	_ =	swait.ge [sflag:s18], $0x4000  }
0x33: {  	[sflag:s18] =	ssyncset.done $0x0  }
0x34: {  	[sflag:s18] =	ssyncadd.s32 $0xFFFFC000  }
.LBB2_5:
0x35: {  	_ =	swait.ge [sflag:s19], $0x4000  }
0x36: {  	[sflag:s19] =	ssyncset.done $0x0  }
0x37: {  	[sflag:s19] =	ssyncadd.s32 $0xFFFFC000  }
.LBB2_6:
0x38: {  	p0 =	seq.s32 s25, $0x30000;
	s28 =	sadd.s32 $0x800, s26  }
0x39: {  	[hbm4b:s28+s2] =	stream.linear.scatter [tilespmem:s20], [sflag:$0x6], $0x4000, $0x38;
	[tilespmem:$0x19C00] =	vst v63  }
0x3a: {  	s28 =	sadd.s32 @!p0 s25, s9  }
0x3b: {  	s30 =	simm.s32 @!p0 $0x0;
	s31 =	simm.s32 @!p0 $0x4000;
	s29 =	sadd.s32 @!p0 $0x2800, s28  }
0x3c: {  	[tilespmem:s31], [sflag:$0x2] =	stream.linear.gather @!p0 [hbm4b:s29+s30], $0x4000, $0x38;
	[tilespmem:$0x19C00] =	vst v63  }
0x3d: {  	_ =	swait.ge [sflag:s21], $0x4000  }
0x3e: {  	[sflag:s21] =	ssyncset.done $0x0  }
0x3f: {  	[sflag:s21] =	ssyncadd.s32 $0xFFFFC000  }
0x40: {  	_ =	swait.ge [sflag:s22], $0x4000  }
0x41: {  	[sflag:s22] =	ssyncset.done $0x0  }
0x42: {  	s31 =	sadd.s32 $0x1000, s26;
	[sflag:s22] =	ssyncadd.s32 $0xFFFFC000  }
0x43: {  	[hbm4b:s31+s2] =	stream.linear.scatter [tilespmem:s17], [sflag:$0x5], $0x4000, $0x38;
	[tilespmem:$0x19C00] =	vst v63  }
0x44: {  	s28 =	sadd.s32 @!p0 $0x3000, s28;
	s29 =	simm.s32 @!p0 $0x8000  }
0x45: {  	[tilespmem:s29], [sflag:$0x3] =	stream.linear.gather @!p0 [hbm4b:s28+s30], $0x4000, $0x38;
	[tilespmem:$0x19C00] =	vst v63  }
0x46: {  	_ =	swait.ge [sflag:s23], $0x4000  }
0x47: {  	[sflag:s23] =	ssyncset.done $0x0  }
.Ltmp5:
0x48: {  	[sflag:s23] =	ssyncadd.s32 $0xFFFFC000;
	(pc) =	sbr.rel @p0 .LBB2_8-.Ltmp5, $4  }
0x49: {  	_ =	swait.ge [sflag:s19], $0x4000  }
0x4a: {  	[sflag:s19] =	ssyncset.done $0x0  }
0x4b: {  	s31 =	sadd.s32 $0x1800, s26;
	[sflag:s19] =	ssyncadd.s32 $0xFFFFC000  }
0x4c: {  	[hbm4b:s31+s2] =	stream.linear.scatter [tilespmem:s20], [sflag:$0x6], $0x4000, $0x38;
	[tilespmem:$0x19C00] =	vst v63  }
.Ltmp6:
0x4d: {  	(pc) =	sbr.rel .LBB2_2-.Ltmp6, $4  }
0x4e: {  	_ = 	snop  }
0x4f: {  	s26 =	sadd.s32 s25, s9  }
0x50: {  	s25 =	sadd.s32 $0x2000, s25;
	s26 =	sadd.s32 $0x3800, s26  }
0x51: {  	[tilespmem:s15], [sflag:$0x4] =	stream.linear.gather [hbm4b:s26+s2], $0x4000, $0x38;
	[tilespmem:$0x19C00] =	vst v63  }
.LBB2_9:
0x52: {  	_ =	sfence.sel $0x180000  }
0x53: {  	[bflag:$0x0] =	sbarrier.arrive $0xFFFF  }
0x54: {  	p0 =	sne.s32 s0, $0x0;
	_ =	strace $0x90000047  }
0x55: {  	s0 =	sadd.s32 @!p0 $0x100000, s1;
	[bflag:$0x2] =	sbarrier.arrive $0xFFFF  }
0x56: {  	[sflag:s0] =	ssyncadd.tile.s32 @!p0 $0x1;
	_ =	shalt  }
.Lfunc_end2:
_tile_overlayer_lowered:
.L_overlay_start_2:
0x57: {  	(tag) =	ssettag $0x2  }
0x58: {  	s0 =	rddreg [dreg:$0x0];
	s2 =	stileid.u32  }
0x59: {  	s1 =	rddreg [dreg:$0x1];
	p0 =	sne.s32 s2, $0x0  }
0x5a: {  	s3 =	rddreg [dreg:$0x2];
	[bflag:$0x3] =	sbarrier.arrive $0xFFFF;
	s2 =	simm.s32 @!p0 $0x1C07  }
0x5b: {  	[timem:s3], [sflag:s2] =	dma.local @!p0 [hbm:s0], s1  }
0x5c: {  	s0 =	simm.s32 @!p0 $0x7  }
0x5d: {  	_ =	swait.ge @!p0 [sflag:s0], s1  }
0x5e: {  	s1 =	ssub.s32 @!p0 $0x0, s1;
	[sflag:s0] =	ssyncset.done @!p0 $0x0  }
0x5f: {  	[sflag:s0] =	ssyncadd.s32 @!p0 s1  }
0x60: {  	[bflag:$0x3] =	sbarrier.arrive $0xFFFF  }
0x61: {  	_ =	shalt  }

</sc_bundles>
